<compile_context>
chip_gen: v7x
topology: tpu7x:2x2x1
jax: 0.10.2.dev20260603
libtpu: 0.0.44.dev20260713+nightly
codegen_flags: <defaults>
</compile_context>

<pallas_src>
import dataclasses

import jax
import jax.numpy as jnp
from jax import lax
from jax.experimental import pallas as pl
from jax.experimental.pallas import tpu as pltpu
from jax.experimental.pallas import tpu_sc as plsc

BATCH = 16384
N_FIELDS = 26
NC = 2
NS = 16
NW = NC * NS
B_PER_W = BATCH // NW
IDX_PER_W = B_PER_W * N_FIELDS
IDX_MINOR = 128
ROWS_PER_F = B_PER_W // IDX_MINOR
LANES = 16
TABLE_LEN = 1000000
TABLE_PAD = 1000448
SPLIT = (TABLE_LEN // 1024) * 1024


def _sc_body(w_hbm, idx_hbm, out_hbm, idx_v, vals_v, out_v, sem):
    wid = lax.axis_index("s") * NC + lax.axis_index("c")
    base = wid * B_PER_W

    pltpu.sync_copy(idx_hbm.at[:, wid], idx_v)

    @pl.loop(0, N_FIELDS)
    def _(f):
        for q in range(ROWS_PER_F):
            pltpu.async_copy(
                w_hbm.at[idx_v.at[f, q]],
                vals_v.at[pl.ds(f * B_PER_W + q * IDX_MINOR, IDX_MINOR)],
                sem,
            )
    pltpu.make_async_copy(w_hbm.at[pl.ds(0, IDX_PER_W)], vals_v, sem).wait()

    @pl.loop(0, B_PER_W, step=2 * LANES)
    def _(j0):
        for s in range(2):
            acc = vals_v[pl.ds(j0 + s * LANES, LANES)]
            for f in range(1, N_FIELDS):
                acc = acc + vals_v[pl.ds(f * B_PER_W + j0 + s * LANES, LANES)]
            out_v[pl.ds(j0 + s * LANES, LANES)] = acc

    pltpu.sync_copy(out_v, out_hbm.at[pl.ds(base, B_PER_W)])


@jax.jit
def _sc_call(w_flat, idx_t):
    mesh = plsc.VectorSubcoreMesh(core_axis_name="c", subcore_axis_name="s")
    cp = pltpu.CompilerParams()
    fields = pltpu.CompilerParams.__dataclass_fields__
    if "needs_layout_passes" in fields:
        cp = dataclasses.replace(cp, needs_layout_passes=False)
    if "use_tc_tiling_on_sc" in fields:
        cp = dataclasses.replace(cp, use_tc_tiling_on_sc=False)
    run = pl.kernel(
        _sc_body,
        compiler_params=cp,
        out_type=jax.ShapeDtypeStruct((BATCH,), jnp.float32),
        mesh=mesh,
        scratch_types=[
            pltpu.VMEM((N_FIELDS, ROWS_PER_F, IDX_MINOR), jnp.int32),
            pltpu.VMEM((IDX_PER_W,), jnp.float32),
            pltpu.VMEM((B_PER_W,), jnp.float32),
            pltpu.SemaphoreType.DMA,
        ],
    )
    return run(w_flat, idx_t)


def kernel(inputs, w):
    idx = inputs.astype(jnp.int32).T.reshape(N_FIELDS, NW, ROWS_PER_F, IDX_MINOR)
    half = SPLIT // 2
    p1a = w[:half, :].reshape(-1)
    p1b = lax.optimization_barrier(w[half:SPLIT, :]).reshape(-1)
    p2 = lax.optimization_barrier(w[SPLIT:, :]).reshape(-1)
    w_flat = lax.dynamic_update_slice(
        lax.dynamic_update_slice(
            jnp.pad(p1a, (0, TABLE_PAD - half)), p1b, (half,)
        ),
        p2, (SPLIT,),
    )
    out = _sc_call(w_flat, idx)
    return out.reshape(BATCH, 1)

# --- scband reference (transcript-rebuilt; emitter-appended) ---
"""Pipeline reference for scband-linear-62912680951943 (READ-ONLY COPY).

The authoritative reference and input builder live on the scoring server;
editing this copy changes nothing except your own understanding.
"""

import jax, jax.numpy as jnp
import numpy as np

FEATURE_LENGTH = 1000000
BATCH = 16384
N_FIELDS = 26

def setup_inputs(seed: int = 0) -> dict:
    key = jax.random.key(seed)
    k_idx, k_w = jax.random.split(key)
    inputs = jax.random.randint(k_idx, (BATCH, N_FIELDS), 0, FEATURE_LENGTH, dtype=jnp.int64 if jax.config.jax_enable_x64 else jnp.int32)
    w = jax.random.normal(k_w, (FEATURE_LENGTH, 1), dtype=jnp.float32) * 0.01
    return {"inputs": inputs, "w": w}

def reference(inputs, w):
    # tf.nn.embedding_lookup(self.w, inputs) -> [B, n_fields, 1]
    gathered = jnp.take(w, inputs, axis=0)
    # tf.reduce_sum(..., axis=1) -> [B, 1]
    result = jnp.sum(gathered, axis=1)
    return result

if __name__ == "__main__":
    import jax
    _d = setup_inputs()
    print(jax.jit(kernel)(*tuple(_d.values())))

</pallas_src>

<mosaic_0001>
#map = affine_map<(d0, d1) -> (0)>
#map1 = affine_map<(d0, d1) -> (0, 0, 0, 0)>
module attributes {stable_mosaic.version = 14 : i64} {
  func.func @_sc_body(%arg0: i32, %arg1: i32, %arg2: memref<1000448xf32, #tpu.memory_space<hbm>>, %arg3: memref<26x32x4x128xi32, #tpu.memory_space<hbm>>, %arg4: memref<16384xf32, #tpu.memory_space<hbm>>, %arg5: memref<26x4x128xi32, #tpu.memory_space<vmem>>, %arg6: memref<13312xf32, #tpu.memory_space<vmem>>, %arg7: memref<512xf32, #tpu.memory_space<vmem>>, %arg8: memref<!tpu.dma_semaphore, #tpu.memory_space<semaphore_mem>>) attributes {dimension_semantics = [#tpu.dimension_semantics<core_parallel>, #tpu.dimension_semantics<subcore_parallel>], iteration_bounds = array<i64: 2, 16>, scalar_prefetch = 0 : i64, scratch_operands = 4 : i64, tpu.core_type = #tpu.core_type<sc_vector_subcore>, window_params = [{transform_indices = #map}, {transform_indices = #map1}, {transform_indices = #map}]} {
    %mul3A = arith.constant 2 : i32
    %mul3A_0 = arith.muli %arg1, %mul3A : i32
    %add3A = arith.addi %mul3A_0, %arg0 : i32
    %mul3A_1 = arith.constant 512 : i32
    %mul3A_2 = arith.muli %add3A, %mul3A_1 : i32
    "tpu.region"() ({
      %run_scoped3A = tpu.sem_alloc : memref<!tpu.dma_semaphore, #tpu.memory_space<semaphore_mem>>
      %dma_start3A = arith.constant 0 : i32
      %dma_start3A_15 = arith.constant 0 : i32
      %dma_start3A_16 = arith.constant 0 : i32
      %dma_start3A_17 = tpu.memref_slice %arg3[%dma_start3A, %add3A, %dma_start3A_15, %dma_start3A_16] : memref<26x32x4x128xi32, #tpu.memory_space<hbm>> -> memref<26x1x4x128xi32, #tpu.memory_space<hbm>>
      %dma_start3A_18 = tpu.memref_squeeze %dma_start3A_17 : memref<26x1x4x128xi32, #tpu.memory_space<hbm>> -> memref<26x4x128xi32, #tpu.memory_space<hbm>>
      %dma_start3A_19 = arith.constant 0 : i32
      %dma_start3A_20 = arith.constant 0 : i32
      %dma_start3A_21 = arith.constant 0 : i32
      %dma_start3A_22 = tpu.memref_slice %arg3[%dma_start3A_19, %add3A, %dma_start3A_20, %dma_start3A_21] : memref<26x32x4x128xi32, #tpu.memory_space<hbm>> -> memref<26x1x4x128xi32, #tpu.memory_space<hbm>>
      %dma_start3A_23 = tpu.memref_squeeze %dma_start3A_22 : memref<26x1x4x128xi32, #tpu.memory_space<hbm>> -> memref<26x4x128xi32, #tpu.memory_space<hbm>>
      tpu.enqueue_dma source(%dma_start3A_23 : memref<26x4x128xi32, #tpu.memory_space<hbm>>) target(%arg5 : memref<26x4x128xi32, #tpu.memory_space<vmem>>) target_semaphore(%run_scoped3A : memref<!tpu.dma_semaphore, #tpu.memory_space<semaphore_mem>>)
      %dma_wait3A_24 = arith.constant 0 : i32
      %dma_wait3A_25 = arith.constant 0 : i32
      %dma_wait3A_26 = arith.constant 0 : i32
      %dma_wait3A_27 = tpu.memref_slice %arg3[%dma_wait3A_24, %add3A, %dma_wait3A_25, %dma_wait3A_26] : memref<26x32x4x128xi32, #tpu.memory_space<hbm>> -> memref<26x1x4x128xi32, #tpu.memory_space<hbm>>
      %dma_wait3A_28 = tpu.memref_squeeze %dma_wait3A_27 : memref<26x1x4x128xi32, #tpu.memory_space<hbm>> -> memref<26x4x128xi32, #tpu.memory_space<hbm>>
      %dma_wait3A_29 = arith.constant 0 : i32
      %dma_wait3A_30 = arith.constant 0 : i32
      %dma_wait3A_31 = arith.constant 0 : i32
      %dma_wait3A_32 = tpu.memref_slice %arg3[%dma_wait3A_29, %add3A, %dma_wait3A_30, %dma_wait3A_31] : memref<26x32x4x128xi32, #tpu.memory_space<hbm>> -> memref<26x1x4x128xi32, #tpu.memory_space<hbm>>
      %dma_wait3A_33 = tpu.memref_squeeze %dma_wait3A_32 : memref<26x1x4x128xi32, #tpu.memory_space<hbm>> -> memref<26x4x128xi32, #tpu.memory_space<hbm>>
      tpu.wait_dma2 semaphore(%run_scoped3A : memref<!tpu.dma_semaphore, #tpu.memory_space<semaphore_mem>>) src(%dma_wait3A_33 : memref<26x4x128xi32, #tpu.memory_space<hbm>>) dst(%arg5 : memref<26x4x128xi32, #tpu.memory_space<vmem>>)
      tpu.yield
    }) : () -> ()
    %scan3A = arith.constant 0 : i32
    %scan3A_3 = arith.constant 26 : i32
    %scan3A_4 = arith.addi %scan3A, %scan3A_3 : i32
    %scan3A_5 = arith.constant 1 : i32
    scf.for %scan3A_15 = %scan3A to %scan3A_4 step %scan3A_5  : i32 {
      %mul3A_16 = arith.constant 1 : i32
      %mul3A_17 = arith.muli %scan3A_15, %mul3A_16 : i32
      %add3A_18 = arith.constant 0 : i32
      %add3A_19 = arith.addi %add3A_18, %mul3A_17 : i32
      %mul3A_20 = arith.constant 512 : i32
      %mul3A_21 = arith.muli %add3A_19, %mul3A_20 : i32
      %add3A_22 = arith.constant 0 : i32
      %add3A_23 = arith.addi %mul3A_21, %add3A_22 : i32
      %dma_start3A = arith.constant 0 : i32
      %dma_start3A_24 = tpu.memref_slice %arg6[%add3A_23] : memref<13312xf32, #tpu.memory_space<vmem>> -> memref<128xf32, #tpu.memory_space<vmem>>
      %dma_start3A_25 = arith.constant 0 : i32
      %dma_start3A_26 = tpu.memref_slice %arg5[%add3A_19, %dma_start3A, %dma_start3A_25] : memref<26x4x128xi32, #tpu.memory_space<vmem>> -> memref<1x1x128xi32, #tpu.memory_space<vmem>>
      %dma_start3A_27 = tpu.memref_squeeze %dma_start3A_26 : memref<1x1x128xi32, #tpu.memory_space<vmem>> -> memref<128xi32, #tpu.memory_space<vmem>>
      %dma_start3A_28 = arith.constant 0 : i32
      %dma_start3A_29 = tpu.memref_slice %arg2[%dma_start3A_28] : memref<1000448xf32, #tpu.memory_space<hbm>> -> memref<1000448xf32, #tpu.memory_space<hbm>>
      tpu.enqueue_indirect_dma source(%dma_start3A_29 : memref<1000448xf32, #tpu.memory_space<hbm>>) target(%dma_start3A_24 : memref<128xf32, #tpu.memory_space<vmem>>) offsets(%dma_start3A_27 : memref<128xi32, #tpu.memory_space<vmem>>) semaphore(%arg8 : memref<!tpu.dma_semaphore, #tpu.memory_space<semaphore_mem>>)
      %mul3A_30 = arith.constant 512 : i32
      %mul3A_31 = arith.muli %add3A_19, %mul3A_30 : i32
      %add3A_32 = arith.constant 128 : i32
      %add3A_33 = arith.addi %mul3A_31, %add3A_32 : i32
      %dma_start3A_34 = arith.constant 1 : i32
      %dma_start3A_35 = tpu.memref_slice %arg6[%add3A_33] : memref<13312xf32, #tpu.memory_space<vmem>> -> memref<128xf32, #tpu.memory_space<vmem>>
      %dma_start3A_36 = arith.constant 0 : i32
      %dma_start3A_37 = tpu.memref_slice %arg5[%add3A_19, %dma_start3A_34, %dma_start3A_36] : memref<26x4x128xi32, #tpu.memory_space<vmem>> -> memref<1x1x128xi32, #tpu.memory_space<vmem>>
      %dma_start3A_38 = tpu.memref_squeeze %dma_start3A_37 : memref<1x1x128xi32, #tpu.memory_space<vmem>> -> memref<128xi32, #tpu.memory_space<vmem>>
      %dma_start3A_39 = arith.constant 0 : i32
      %dma_start3A_40 = tpu.memref_slice %arg2[%dma_start3A_39] : memref<1000448xf32, #tpu.memory_space<hbm>> -> memref<1000448xf32, #tpu.memory_space<hbm>>
      tpu.enqueue_indirect_dma source(%dma_start3A_40 : memref<1000448xf32, #tpu.memory_space<hbm>>) target(%dma_start3A_35 : memref<128xf32, #tpu.memory_space<vmem>>) offsets(%dma_start3A_38 : memref<128xi32, #tpu.memory_space<vmem>>) semaphore(%arg8 : memref<!tpu.dma_semaphore, #tpu.memory_space<semaphore_mem>>)
      %mul3A_41 = arith.constant 512 : i32
      %mul3A_42 = arith.muli %add3A_19, %mul3A_41 : i32
      %add3A_43 = arith.constant 256 : i32
      %add3A_44 = arith.addi %mul3A_42, %add3A_43 : i32
      %dma_start3A_45 = arith.constant 2 : i32
      %dma_start3A_46 = tpu.memref_slice %arg6[%add3A_44] : memref<13312xf32, #tpu.memory_space<vmem>> -> memref<128xf32, #tpu.memory_space<vmem>>
      %dma_start3A_47 = arith.constant 0 : i32
      %dma_start3A_48 = tpu.memref_slice %arg5[%add3A_19, %dma_start3A_45, %dma_start3A_47] : memref<26x4x128xi32, #tpu.memory_space<vmem>> -> memref<1x1x128xi32, #tpu.memory_space<vmem>>
      %dma_start3A_49 = tpu.memref_squeeze %dma_start3A_48 : memref<1x1x128xi32, #tpu.memory_space<vmem>> -> memref<128xi32, #tpu.memory_space<vmem>>
      %dma_start3A_50 = arith.constant 0 : i32
      %dma_start3A_51 = tpu.memref_slice %arg2[%dma_start3A_50] : memref<1000448xf32, #tpu.memory_space<hbm>> -> memref<1000448xf32, #tpu.memory_space<hbm>>
      tpu.enqueue_indirect_dma source(%dma_start3A_51 : memref<1000448xf32, #tpu.memory_space<hbm>>) target(%dma_start3A_46 : memref<128xf32, #tpu.memory_space<vmem>>) offsets(%dma_start3A_49 : memref<128xi32, #tpu.memory_space<vmem>>) semaphore(%arg8 : memref<!tpu.dma_semaphore, #tpu.memory_space<semaphore_mem>>)
      %mul3A_52 = arith.constant 512 : i32
      %mul3A_53 = arith.muli %add3A_19, %mul3A_52 : i32
      %add3A_54 = arith.constant 384 : i32
      %add3A_55 = arith.addi %mul3A_53, %add3A_54 : i32
      %dma_start3A_56 = arith.constant 3 : i32
      %dma_start3A_57 = tpu.memref_slice %arg6[%add3A_55] : memref<13312xf32, #tpu.memory_space<vmem>> -> memref<128xf32, #tpu.memory_space<vmem>>
      %dma_start3A_58 = arith.constant 0 : i32
      %dma_start3A_59 = tpu.memref_slice %arg5[%add3A_19, %dma_start3A_56, %dma_start3A_58] : memref<26x4x128xi32, #tpu.memory_space<vmem>> -> memref<1x1x128xi32, #tpu.memory_space<vmem>>
      %dma_start3A_60 = tpu.memref_squeeze %dma_start3A_59 : memref<1x1x128xi32, #tpu.memory_space<vmem>> -> memref<128xi32, #tpu.memory_space<vmem>>
      %dma_start3A_61 = arith.constant 0 : i32
      %dma_start3A_62 = tpu.memref_slice %arg2[%dma_start3A_61] : memref<1000448xf32, #tpu.memory_space<hbm>> -> memref<1000448xf32, #tpu.memory_space<hbm>>
      tpu.enqueue_indirect_dma source(%dma_start3A_62 : memref<1000448xf32, #tpu.memory_space<hbm>>) target(%dma_start3A_57 : memref<128xf32, #tpu.memory_space<vmem>>) offsets(%dma_start3A_60 : memref<128xi32, #tpu.memory_space<vmem>>) semaphore(%arg8 : memref<!tpu.dma_semaphore, #tpu.memory_space<semaphore_mem>>)
    }
    %scan3A_6 = arith.constant 26 : i32
    %dma_wait3A = arith.constant 0 : i32
    %dma_wait3A_7 = tpu.memref_slice %arg2[%dma_wait3A] : memref<1000448xf32, #tpu.memory_space<hbm>> -> memref<13312xf32, #tpu.memory_space<hbm>>
    %dma_wait3A_8 = arith.constant 0 : i32
    %dma_wait3A_9 = tpu.memref_slice %arg2[%dma_wait3A_8] : memref<1000448xf32, #tpu.memory_space<hbm>> -> memref<13312xf32, #tpu.memory_space<hbm>>
    tpu.wait_dma2 semaphore(%arg8 : memref<!tpu.dma_semaphore, #tpu.memory_space<semaphore_mem>>) src(%dma_wait3A_9 : memref<13312xf32, #tpu.memory_space<hbm>>) dst(%arg6 : memref<13312xf32, #tpu.memory_space<vmem>>)
    %scan3A_10 = arith.constant 0 : i32
    %scan3A_11 = arith.constant 16 : i32
    %scan3A_12 = arith.addi %scan3A_10, %scan3A_11 : i32
    %scan3A_13 = arith.constant 1 : i32
    scf.for %scan3A_15 = %scan3A_10 to %scan3A_12 step %scan3A_13  : i32 {
      %mul3A_16 = arith.constant 32 : i32
      %mul3A_17 = arith.muli %scan3A_15, %mul3A_16 : i32
      %add3A_18 = arith.constant 0 : i32
      %add3A_19 = arith.addi %add3A_18, %mul3A_17 : i32
      %add3A_20 = arith.constant 0 : i32
      %add3A_21 = arith.addi %add3A_19, %add3A_20 : i32
      %get3A = arith.index_cast %add3A_21 : i32 to index
      %get3A_22 = tpu.vector_load %arg6[%get3A] {strides = array<i32>} : memref<13312xf32, #tpu.memory_space<vmem>>, vector<16xf32>,
      %add3A_23 = arith.constant 512 : i32
      %add3A_24 = arith.addi %add3A_23, %add3A_19 : i32
      %add3A_25 = arith.constant 0 : i32
      %add3A_26 = arith.addi %add3A_24, %add3A_25 : i32
      %get3A_27 = arith.index_cast %add3A_26 : i32 to index
      %get3A_28 = tpu.vector_load %arg6[%get3A_27] {strides = array<i32>} : memref<13312xf32, #tpu.memory_space<vmem>>, vector<16xf32>,
      %add3A_29 = arith.addf %get3A_22, %get3A_28 : vector<16xf32>
      %add3A_30 = arith.constant 1024 : i32
      %add3A_31 = arith.addi %add3A_30, %add3A_19 : i32
      %add3A_32 = arith.constant 0 : i32
      %add3A_33 = arith.addi %add3A_31, %add3A_32 : i32
      %get3A_34 = arith.index_cast %add3A_33 : i32 to index
      %get3A_35 = tpu.vector_load %arg6[%get3A_34] {strides = array<i32>} : memref<13312xf32, #tpu.memory_space<vmem>>, vector<16xf32>,
      %add3A_36 = arith.addf %add3A_29, %get3A_35 : vector<16xf32>
      %add3A_37 = arith.constant 1536 : i32
      %add3A_38 = arith.addi %add3A_37, %add3A_19 : i32
      %add3A_39 = arith.constant 0 : i32
      %add3A_40 = arith.addi %add3A_38, %add3A_39 : i32
      %get3A_41 = arith.index_cast %add3A_40 : i32 to index
      %get3A_42 = tpu.vector_load %arg6[%get3A_41] {strides = array<i32>} : memref<13312xf32, #tpu.memory_space<vmem>>, vector<16xf32>,
      %add3A_43 = arith.addf %add3A_36, %get3A_42 : vector<16xf32>
      %add3A_44 = arith.constant 2048 : i32
      %add3A_45 = arith.addi %add3A_44, %add3A_19 : i32
      %add3A_46 = arith.constant 0 : i32
      %add3A_47 = arith.addi %add3A_45, %add3A_46 : i32
      %get3A_48 = arith.index_cast %add3A_47 : i32 to index
      %get3A_49 = tpu.vector_load %arg6[%get3A_48] {strides = array<i32>} : memref<13312xf32, #tpu.memory_space<vmem>>, vector<16xf32>,
      %add3A_50 = arith.addf %add3A_43, %get3A_49 : vector<16xf32>
      %add3A_51 = arith.constant 2560 : i32
      %add3A_52 = arith.addi %add3A_51, %add3A_19 : i32
      %add3A_53 = arith.constant 0 : i32
      %add3A_54 = arith.addi %add3A_52, %add3A_53 : i32
      %get3A_55 = arith.index_cast %add3A_54 : i32 to index
      %get3A_56 = tpu.vector_load %arg6[%get3A_55] {strides = array<i32>} : memref<13312xf32, #tpu.memory_space<vmem>>, vector<16xf32>,
      %add3A_57 = arith.addf %add3A_50, %get3A_56 : vector<16xf32>
      %add3A_58 = arith.constant 3072 : i32
      %add3A_59 = arith.addi %add3A_58, %add3A_19 : i32
      %add3A_60 = arith.constant 0 : i32
      %add3A_61 = arith.addi %add3A_59, %add3A_60 : i32
      %get3A_62 = arith.index_cast %add3A_61 : i32 to index
      %get3A_63 = tpu.vector_load %arg6[%get3A_62] {strides = array<i32>} : memref<13312xf32, #tpu.memory_space<vmem>>, vector<16xf32>,
      %add3A_64 = arith.addf %add3A_57, %get3A_63 : vector<16xf32>
      %add3A_65 = arith.constant 3584 : i32
      %add3A_66 = arith.addi %add3A_65, %add3A_19 : i32
      %add3A_67 = arith.constant 0 : i32
      %add3A_68 = arith.addi %add3A_66, %add3A_67 : i32
      %get3A_69 = arith.index_cast %add3A_68 : i32 to index
      %get3A_70 = tpu.vector_load %arg6[%get3A_69] {strides = array<i32>} : memref<13312xf32, #tpu.memory_space<vmem>>, vector<16xf32>,
      %add3A_71 = arith.addf %add3A_64, %get3A_70 : vector<16xf32>
      %add3A_72 = arith.constant 4096 : i32
      %add3A_73 = arith.addi %add3A_72, %add3A_19 : i32
      %add3A_74 = arith.constant 0 : i32
      %add3A_75 = arith.addi %add3A_73, %add3A_74 : i32
      %get3A_76 = arith.index_cast %add3A_75 : i32 to index
      %get3A_77 = tpu.vector_load %arg6[%get3A_76] {strides = array<i32>} : memref<13312xf32, #tpu.memory_space<vmem>>, vector<16xf32>,
      %add3A_78 = arith.addf %add3A_71, %get3A_77 : vector<16xf32>
      %add3A_79 = arith.constant 4608 : i32
      %add3A_80 = arith.addi %add3A_79, %add3A_19 : i32
      %add3A_81 = arith.constant 0 : i32
      %add3A_82 = arith.addi %add3A_80, %add3A_81 : i32
      %get3A_83 = arith.index_cast %add3A_82 : i32 to index
      %get3A_84 = tpu.vector_load %arg6[%get3A_83] {strides = array<i32>} : memref<13312xf32, #tpu.memory_space<vmem>>, vector<16xf32>,
      %add3A_85 = arith.addf %add3A_78, %get3A_84 : vector<16xf32>
      %add3A_86 = arith.constant 5120 : i32
      %add3A_87 = arith.addi %add3A_86, %add3A_19 : i32
      %add3A_88 = arith.constant 0 : i32
      %add3A_89 = arith.addi %add3A_87, %add3A_88 : i32
      %get3A_90 = arith.index_cast %add3A_89 : i32 to index
      %get3A_91 = tpu.vector_load %arg6[%get3A_90] {strides = array<i32>} : memref<13312xf32, #tpu.memory_space<vmem>>, vector<16xf32>,
      %add3A_92 = arith.addf %add3A_85, %get3A_91 : vector<16xf32>
      %add3A_93 = arith.constant 5632 : i32
      %add3A_94 = arith.addi %add3A_93, %add3A_19 : i32
      %add3A_95 = arith.constant 0 : i32
      %add3A_96 = arith.addi %add3A_94, %add3A_95 : i32
      %get3A_97 = arith.index_cast %add3A_96 : i32 to index
      %get3A_98 = tpu.vector_load %arg6[%get3A_97] {strides = array<i32>} : memref<13312xf32, #tpu.memory_space<vmem>>, vector<16xf32>,
      %add3A_99 = arith.addf %add3A_92, %get3A_98 : vector<16xf32>
      %add3A_100 = arith.constant 6144 : i32
      %add3A_101 = arith.addi %add3A_100, %add3A_19 : i32
      %add3A_102 = arith.constant 0 : i32
      %add3A_103 = arith.addi %add3A_101, %add3A_102 : i32
      %get3A_104 = arith.index_cast %add3A_103 : i32 to index
      %get3A_105 = tpu.vector_load %arg6[%get3A_104] {strides = array<i32>} : memref<13312xf32, #tpu.memory_space<vmem>>, vector<16xf32>,
      %add3A_106 = arith.addf %add3A_99, %get3A_105 : vector<16xf32>
      %add3A_107 = arith.constant 6656 : i32
      %add3A_108 = arith.addi %add3A_107, %add3A_19 : i32
      %add3A_109 = arith.constant 0 : i32
      %add3A_110 = arith.addi %add3A_108, %add3A_109 : i32
      %get3A_111 = arith.index_cast %add3A_110 : i32 to index
      %get3A_112 = tpu.vector_load %arg6[%get3A_111] {strides = array<i32>} : memref<13312xf32, #tpu.memory_space<vmem>>, vector<16xf32>,
      %add3A_113 = arith.addf %add3A_106, %get3A_112 : vector<16xf32>
      %add3A_114 = arith.constant 7168 : i32
      %add3A_115 = arith.addi %add3A_114, %add3A_19 : i32
      %add3A_116 = arith.constant 0 : i32
      %add3A_117 = arith.addi %add3A_115, %add3A_116 : i32
      %get3A_118 = arith.index_cast %add3A_117 : i32 to index
      %get3A_119 = tpu.vector_load %arg6[%get3A_118] {strides = array<i32>} : memref<13312xf32, #tpu.memory_space<vmem>>, vector<16xf32>,
      %add3A_120 = arith.addf %add3A_113, %get3A_119 : vector<16xf32>
      %add3A_121 = arith.constant 7680 : i32
      %add3A_122 = arith.addi %add3A_121, %add3A_19 : i32
      %add3A_123 = arith.constant 0 : i32
      %add3A_124 = arith.addi %add3A_122, %add3A_123 : i32
      %get3A_125 = arith.index_cast %add3A_124 : i32 to index
      %get3A_126 = tpu.vector_load %arg6[%get3A_125] {strides = array<i32>} : memref<13312xf32, #tpu.memory_space<vmem>>, vector<16xf32>,
      %add3A_127 = arith.addf %add3A_120, %get3A_126 : vector<16xf32>
      %add3A_128 = arith.constant 8192 : i32
      %add3A_129 = arith.addi %add3A_128, %add3A_19 : i32
      %add3A_130 = arith.constant 0 : i32
      %add3A_131 = arith.addi %add3A_129, %add3A_130 : i32
      %get3A_132 = arith.index_cast %add3A_131 : i32 to index
      %get3A_133 = tpu.vector_load %arg6[%get3A_132] {strides = array<i32>} : memref<13312xf32, #tpu.memory_space<vmem>>, vector<16xf32>,
      %add3A_134 = arith.addf %add3A_127, %get3A_133 : vector<16xf32>
      %add3A_135 = arith.constant 8704 : i32
      %add3A_136 = arith.addi %add3A_135, %add3A_19 : i32
      %add3A_137 = arith.constant 0 : i32
      %add3A_138 = arith.addi %add3A_136, %add3A_137 : i32
      %get3A_139 = arith.index_cast %add3A_138 : i32 to index
      %get3A_140 = tpu.vector_load %arg6[%get3A_139] {strides = array<i32>} : memref<13312xf32, #tpu.memory_space<vmem>>, vector<16xf32>,
      %add3A_141 = arith.addf %add3A_134, %get3A_140 : vector<16xf32>
      %add3A_142 = arith.constant 9216 : i32
      %add3A_143 = arith.addi %add3A_142, %add3A_19 : i32
      %add3A_144 = arith.constant 0 : i32
      %add3A_145 = arith.addi %add3A_143, %add3A_144 : i32
      %get3A_146 = arith.index_cast %add3A_145 : i32 to index
      %get3A_147 = tpu.vector_load %arg6[%get3A_146] {strides = array<i32>} : memref<13312xf32, #tpu.memory_space<vmem>>, vector<16xf32>,
      %add3A_148 = arith.addf %add3A_141, %get3A_147 : vector<16xf32>
      %add3A_149 = arith.constant 9728 : i32
      %add3A_150 = arith.addi %add3A_149, %add3A_19 : i32
      %add3A_151 = arith.constant 0 : i32
      %add3A_152 = arith.addi %add3A_150, %add3A_151 : i32
      %get3A_153 = arith.index_cast %add3A_152 : i32 to index
      %get3A_154 = tpu.vector_load %arg6[%get3A_153] {strides = array<i32>} : memref<13312xf32, #tpu.memory_space<vmem>>, vector<16xf32>,
      %add3A_155 = arith.addf %add3A_148, %get3A_154 : vector<16xf32>
      %add3A_156 = arith.constant 10240 : i32
      %add3A_157 = arith.addi %add3A_156, %add3A_19 : i32
      %add3A_158 = arith.constant 0 : i32
      %add3A_159 = arith.addi %add3A_157, %add3A_158 : i32
      %get3A_160 = arith.index_cast %add3A_159 : i32 to index
      %get3A_161 = tpu.vector_load %arg6[%get3A_160] {strides = array<i32>} : memref<13312xf32, #tpu.memory_space<vmem>>, vector<16xf32>,
      %add3A_162 = arith.addf %add3A_155, %get3A_161 : vector<16xf32>
      %add3A_163 = arith.constant 10752 : i32
      %add3A_164 = arith.addi %add3A_163, %add3A_19 : i32
      %add3A_165 = arith.constant 0 : i32
      %add3A_166 = arith.addi %add3A_164, %add3A_165 : i32
      %get3A_167 = arith.index_cast %add3A_166 : i32 to index
      %get3A_168 = tpu.vector_load %arg6[%get3A_167] {strides = array<i32>} : memref<13312xf32, #tpu.memory_space<vmem>>, vector<16xf32>,
      %add3A_169 = arith.addf %add3A_162, %get3A_168 : vector<16xf32>
      %add3A_170 = arith.constant 11264 : i32
      %add3A_171 = arith.addi %add3A_170, %add3A_19 : i32
      %add3A_172 = arith.constant 0 : i32
      %add3A_173 = arith.addi %add3A_171, %add3A_172 : i32
      %get3A_174 = arith.index_cast %add3A_173 : i32 to index
      %get3A_175 = tpu.vector_load %arg6[%get3A_174] {strides = array<i32>} : memref<13312xf32, #tpu.memory_space<vmem>>, vector<16xf32>,
      %add3A_176 = arith.addf %add3A_169, %get3A_175 : vector<16xf32>
      %add3A_177 = arith.constant 11776 : i32
      %add3A_178 = arith.addi %add3A_177, %add3A_19 : i32
      %add3A_179 = arith.constant 0 : i32
      %add3A_180 = arith.addi %add3A_178, %add3A_179 : i32
      %get3A_181 = arith.index_cast %add3A_180 : i32 to index
      %get3A_182 = tpu.vector_load %arg6[%get3A_181] {strides = array<i32>} : memref<13312xf32, #tpu.memory_space<vmem>>, vector<16xf32>,
      %add3A_183 = arith.addf %add3A_176, %get3A_182 : vector<16xf32>
      %add3A_184 = arith.constant 12288 : i32
      %add3A_185 = arith.addi %add3A_184, %add3A_19 : i32
      %add3A_186 = arith.constant 0 : i32
      %add3A_187 = arith.addi %add3A_185, %add3A_186 : i32
      %get3A_188 = arith.index_cast %add3A_187 : i32 to index
      %get3A_189 = tpu.vector_load %arg6[%get3A_188] {strides = array<i32>} : memref<13312xf32, #tpu.memory_space<vmem>>, vector<16xf32>,
      %add3A_190 = arith.addf %add3A_183, %get3A_189 : vector<16xf32>
      %add3A_191 = arith.constant 12800 : i32
      %add3A_192 = arith.addi %add3A_191, %add3A_19 : i32
      %add3A_193 = arith.constant 0 : i32
      %add3A_194 = arith.addi %add3A_192, %add3A_193 : i32
      %get3A_195 = arith.index_cast %add3A_194 : i32 to index
      %get3A_196 = tpu.vector_load %arg6[%get3A_195] {strides = array<i32>} : memref<13312xf32, #tpu.memory_space<vmem>>, vector<16xf32>,
      %add3A_197 = arith.addf %add3A_190, %get3A_196 : vector<16xf32>
      %add3A_198 = arith.constant 0 : i32
      %add3A_199 = arith.addi %add3A_19, %add3A_198 : i32
      %swap3A = arith.index_cast %add3A_199 : i32 to index
      %swap3A_200 = tpu.vector_load %arg7[%swap3A] {strides = array<i32>} : memref<512xf32, #tpu.memory_space<vmem>>, vector<16xf32>,
      tpu.vector_store %arg7[%swap3A], %add3A_197 {strides = array<i32>} : memref<512xf32, #tpu.memory_space<vmem>>, vector<16xf32>,
      %add3A_201 = arith.constant 16 : i32
      %add3A_202 = arith.addi %add3A_19, %add3A_201 : i32
      %get3A_203 = arith.index_cast %add3A_202 : i32 to index
      %get3A_204 = tpu.vector_load %arg6[%get3A_203] {strides = array<i32>} : memref<13312xf32, #tpu.memory_space<vmem>>, vector<16xf32>,
      %add3A_205 = arith.constant 512 : i32
      %add3A_206 = arith.addi %add3A_205, %add3A_19 : i32
      %add3A_207 = arith.constant 16 : i32
      %add3A_208 = arith.addi %add3A_206, %add3A_207 : i32
      %get3A_209 = arith.index_cast %add3A_208 : i32 to index
      %get3A_210 = tpu.vector_load %arg6[%get3A_209] {strides = array<i32>} : memref<13312xf32, #tpu.memory_space<vmem>>, vector<16xf32>,
      %add3A_211 = arith.addf %get3A_204, %get3A_210 : vector<16xf32>
      %add3A_212 = arith.constant 1024 : i32
      %add3A_213 = arith.addi %add3A_212, %add3A_19 : i32
      %add3A_214 = arith.constant 16 : i32
      %add3A_215 = arith.addi %add3A_213, %add3A_214 : i32
      %get3A_216 = arith.index_cast %add3A_215 : i32 to index
      %get3A_217 = tpu.vector_load %arg6[%get3A_216] {strides = array<i32>} : memref<13312xf32, #tpu.memory_space<vmem>>, vector<16xf32>,
      %add3A_218 = arith.addf %add3A_211, %get3A_217 : vector<16xf32>
      %add3A_219 = arith.constant 1536 : i32
      %add3A_220 = arith.addi %add3A_219, %add3A_19 : i32
      %add3A_221 = arith.constant 16 : i32
      %add3A_222 = arith.addi %add3A_220, %add3A_221 : i32
      %get3A_223 = arith.index_cast %add3A_222 : i32 to index
      %get3A_224 = tpu.vector_load %arg6[%get3A_223] {strides = array<i32>} : memref<13312xf32, #tpu.memory_space<vmem>>, vector<16xf32>,
      %add3A_225 = arith.addf %add3A_218, %get3A_224 : vector<16xf32>
      %add3A_226 = arith.constant 2048 : i32
      %add3A_227 = arith.addi %add3A_226, %add3A_19 : i32
      %add3A_228 = arith.constant 16 : i32
      %add3A_229 = arith.addi %add3A_227, %add3A_228 : i32
      %get3A_230 = arith.index_cast %add3A_229 : i32 to index
      %get3A_231 = tpu.vector_load %arg6[%get3A_230] {strides = array<i32>} : memref<13312xf32, #tpu.memory_space<vmem>>, vector<16xf32>,
      %add3A_232 = arith.addf %add3A_225, %get3A_231 : vector<16xf32>
      %add3A_233 = arith.constant 2560 : i32
      %add3A_234 = arith.addi %add3A_233, %add3A_19 : i32
      %add3A_235 = arith.constant 16 : i32
      %add3A_236 = arith.addi %add3A_234, %add3A_235 : i32
      %get3A_237 = arith.index_cast %add3A_236 : i32 to index
      %get3A_238 = tpu.vector_load %arg6[%get3A_237] {strides = array<i32>} : memref<13312xf32, #tpu.memory_space<vmem>>, vector<16xf32>,
      %add3A_239 = arith.addf %add3A_232, %get3A_238 : vector<16xf32>
      %add3A_240 = arith.constant 3072 : i32
      %add3A_241 = arith.addi %add3A_240, %add3A_19 : i32
      %add3A_242 = arith.constant 16 : i32
      %add3A_243 = arith.addi %add3A_241, %add3A_242 : i32
      %get3A_244 = arith.index_cast %add3A_243 : i32 to index
      %get3A_245 = tpu.vector_load %arg6[%get3A_244] {strides = array<i32>} : memref<13312xf32, #tpu.memory_space<vmem>>, vector<16xf32>,
      %add3A_246 = arith.addf %add3A_239, %get3A_245 : vector<16xf32>
      %add3A_247 = arith.constant 3584 : i32
      %add3A_248 = arith.addi %add3A_247, %add3A_19 : i32
      %add3A_249 = arith.constant 16 : i32
      %add3A_250 = arith.addi %add3A_248, %add3A_249 : i32
      %get3A_251 = arith.index_cast %add3A_250 : i32 to index
      %get3A_252 = tpu.vector_load %arg6[%get3A_251] {strides = array<i32>} : memref<13312xf32, #tpu.memory_space<vmem>>, vector<16xf32>,
      %add3A_253 = arith.addf %add3A_246, %get3A_252 : vector<16xf32>
      %add3A_254 = arith.constant 4096 : i32
      %add3A_255 = arith.addi %add3A_254, %add3A_19 : i32
      %add3A_256 = arith.constant 16 : i32
      %add3A_257 = arith.addi %add3A_255, %add3A_256 : i32
      %get3A_258 = arith.index_cast %add3A_257 : i32 to index
      %get3A_259 = tpu.vector_load %arg6[%get3A_258] {strides = array<i32>} : memref<13312xf32, #tpu.memory_space<vmem>>, vector<16xf32>,
      %add3A_260 = arith.addf %add3A_253, %get3A_259 : vector<16xf32>
      %add3A_261 = arith.constant 4608 : i32
      %add3A_262 = arith.addi %add3A_261, %add3A_19 : i32
      %add3A_263 = arith.constant 16 : i32
      %add3A_264 = arith.addi %add3A_262, %add3A_263 : i32
      %get3A_265 = arith.index_cast %add3A_264 : i32 to index
      %get3A_266 = tpu.vector_load %arg6[%get3A_265] {strides = array<i32>} : memref<13312xf32, #tpu.memory_space<vmem>>, vector<16xf32>,
      %add3A_267 = arith.addf %add3A_260, %get3A_266 : vector<16xf32>
      %add3A_268 = arith.constant 5120 : i32
      %add3A_269 = arith.addi %add3A_268, %add3A_19 : i32
      %add3A_270 = arith.constant 16 : i32
      %add3A_271 = arith.addi %add3A_269, %add3A_270 : i32
      %get3A_272 = arith.index_cast %add3A_271 : i32 to index
      %get3A_273 = tpu.vector_load %arg6[%get3A_272] {strides = array<i32>} : memref<13312xf32, #tpu.memory_space<vmem>>, vector<16xf32>,
      %add3A_274 = arith.addf %add3A_267, %get3A_273 : vector<16xf32>
      %add3A_275 = arith.constant 5632 : i32
      %add3A_276 = arith.addi %add3A_275, %add3A_19 : i32
      %add3A_277 = arith.constant 16 : i32
      %add3A_278 = arith.addi %add3A_276, %add3A_277 : i32
      %get3A_279 = arith.index_cast %add3A_278 : i32 to index
      %get3A_280 = tpu.vector_load %arg6[%get3A_279] {strides = array<i32>} : memref<13312xf32, #tpu.memory_space<vmem>>, vector<16xf32>,
      %add3A_281 = arith.addf %add3A_274, %get3A_280 : vector<16xf32>
      %add3A_282 = arith.constant 6144 : i32
      %add3A_283 = arith.addi %add3A_282, %add3A_19 : i32
      %add3A_284 = arith.constant 16 : i32
      %add3A_285 = arith.addi %add3A_283, %add3A_284 : i32
      %get3A_286 = arith.index_cast %add3A_285 : i32 to index
      %get3A_287 = tpu.vector_load %arg6[%get3A_286] {strides = array<i32>} : memref<13312xf32, #tpu.memory_space<vmem>>, vector<16xf32>,
      %add3A_288 = arith.addf %add3A_281, %get3A_287 : vector<16xf32>
      %add3A_289 = arith.constant 6656 : i32
      %add3A_290 = arith.addi %add3A_289, %add3A_19 : i32
      %add3A_291 = arith.constant 16 : i32
      %add3A_292 = arith.addi %add3A_290, %add3A_291 : i32
      %get3A_293 = arith.index_cast %add3A_292 : i32 to index
      %get3A_294 = tpu.vector_load %arg6[%get3A_293] {strides = array<i32>} : memref<13312xf32, #tpu.memory_space<vmem>>, vector<16xf32>,
      %add3A_295 = arith.addf %add3A_288, %get3A_294 : vector<16xf32>
      %add3A_296 = arith.constant 7168 : i32
      %add3A_297 = arith.addi %add3A_296, %add3A_19 : i32
      %add3A_298 = arith.constant 16 : i32
      %add3A_299 = arith.addi %add3A_297, %add3A_298 : i32
      %get3A_300 = arith.index_cast %add3A_299 : i32 to index
      %get3A_301 = tpu.vector_load %arg6[%get3A_300] {strides = array<i32>} : memref<13312xf32, #tpu.memory_space<vmem>>, vector<16xf32>,
      %add3A_302 = arith.addf %add3A_295, %get3A_301 : vector<16xf32>
      %add3A_303 = arith.constant 7680 : i32
      %add3A_304 = arith.addi %add3A_303, %add3A_19 : i32
      %add3A_305 = arith.constant 16 : i32
      %add3A_306 = arith.addi %add3A_304, %add3A_305 : i32
      %get3A_307 = arith.index_cast %add3A_306 : i32 to index
      %get3A_308 = tpu.vector_load %arg6[%get3A_307] {strides = array<i32>} : memref<13312xf32, #tpu.memory_space<vmem>>, vector<16xf32>,
      %add3A_309 = arith.addf %add3A_302, %get3A_308 : vector<16xf32>
      %add3A_310 = arith.constant 8192 : i32
      %add3A_311 = arith.addi %add3A_310, %add3A_19 : i32
      %add3A_312 = arith.constant 16 : i32
      %add3A_313 = arith.addi %add3A_311, %add3A_312 : i32
      %get3A_314 = arith.index_cast %add3A_313 : i32 to index
      %get3A_315 = tpu.vector_load %arg6[%get3A_314] {strides = array<i32>} : memref<13312xf32, #tpu.memory_space<vmem>>, vector<16xf32>,
      %add3A_316 = arith.addf %add3A_309, %get3A_315 : vector<16xf32>
      %add3A_317 = arith.constant 8704 : i32
      %add3A_318 = arith.addi %add3A_317, %add3A_19 : i32
      %add3A_319 = arith.constant 16 : i32
      %add3A_320 = arith.addi %add3A_318, %add3A_319 : i32
      %get3A_321 = arith.index_cast %add3A_320 : i32 to index
      %get3A_322 = tpu.vector_load %arg6[%get3A_321] {strides = array<i32>} : memref<13312xf32, #tpu.memory_space<vmem>>, vector<16xf32>,
      %add3A_323 = arith.addf %add3A_316, %get3A_322 : vector<16xf32>
      %add3A_324 = arith.constant 9216 : i32
      %add3A_325 = arith.addi %add3A_324, %add3A_19 : i32
      %add3A_326 = arith.constant 16 : i32
      %add3A_327 = arith.addi %add3A_325, %add3A_326 : i32
      %get3A_328 = arith.index_cast %add3A_327 : i32 to index
      %get3A_329 = tpu.vector_load %arg6[%get3A_328] {strides = array<i32>} : memref<13312xf32, #tpu.memory_space<vmem>>, vector<16xf32>,
      %add3A_330 = arith.addf %add3A_323, %get3A_329 : vector<16xf32>
      %add3A_331 = arith.constant 9728 : i32
      %add3A_332 = arith.addi %add3A_331, %add3A_19 : i32
      %add3A_333 = arith.constant 16 : i32
      %add3A_334 = arith.addi %add3A_332, %add3A_333 : i32
      %get3A_335 = arith.index_cast %add3A_334 : i32 to index
      %get3A_336 = tpu.vector_load %arg6[%get3A_335] {strides = array<i32>} : memref<13312xf32, #tpu.memory_space<vmem>>, vector<16xf32>,
      %add3A_337 = arith.addf %add3A_330, %get3A_336 : vector<16xf32>
      %add3A_338 = arith.constant 10240 : i32
      %add3A_339 = arith.addi %add3A_338, %add3A_19 : i32
      %add3A_340 = arith.constant 16 : i32
      %add3A_341 = arith.addi %add3A_339, %add3A_340 : i32
      %get3A_342 = arith.index_cast %add3A_341 : i32 to index
      %get3A_343 = tpu.vector_load %arg6[%get3A_342] {strides = array<i32>} : memref<13312xf32, #tpu.memory_space<vmem>>, vector<16xf32>,
      %add3A_344 = arith.addf %add3A_337, %get3A_343 : vector<16xf32>
      %add3A_345 = arith.constant 10752 : i32
      %add3A_346 = arith.addi %add3A_345, %add3A_19 : i32
      %add3A_347 = arith.constant 16 : i32
      %add3A_348 = arith.addi %add3A_346, %add3A_347 : i32
      %get3A_349 = arith.index_cast %add3A_348 : i32 to index
      %get3A_350 = tpu.vector_load %arg6[%get3A_349] {strides = array<i32>} : memref<13312xf32, #tpu.memory_space<vmem>>, vector<16xf32>,
      %add3A_351 = arith.addf %add3A_344, %get3A_350 : vector<16xf32>
      %add3A_352 = arith.constant 11264 : i32
      %add3A_353 = arith.addi %add3A_352, %add3A_19 : i32
      %add3A_354 = arith.constant 16 : i32
      %add3A_355 = arith.addi %add3A_353, %add3A_354 : i32
      %get3A_356 = arith.index_cast %add3A_355 : i32 to index
      %get3A_357 = tpu.vector_load %arg6[%get3A_356] {strides = array<i32>} : memref<13312xf32, #tpu.memory_space<vmem>>, vector<16xf32>,
      %add3A_358 = arith.addf %add3A_351, %get3A_357 : vector<16xf32>
      %add3A_359 = arith.constant 11776 : i32
      %add3A_360 = arith.addi %add3A_359, %add3A_19 : i32
      %add3A_361 = arith.constant 16 : i32
      %add3A_362 = arith.addi %add3A_360, %add3A_361 : i32
      %get3A_363 = arith.index_cast %add3A_362 : i32 to index
      %get3A_364 = tpu.vector_load %arg6[%get3A_363] {strides = array<i32>} : memref<13312xf32, #tpu.memory_space<vmem>>, vector<16xf32>,
      %add3A_365 = arith.addf %add3A_358, %get3A_364 : vector<16xf32>
      %add3A_366 = arith.constant 12288 : i32
      %add3A_367 = arith.addi %add3A_366, %add3A_19 : i32
      %add3A_368 = arith.constant 16 : i32
      %add3A_369 = arith.addi %add3A_367, %add3A_368 : i32
      %get3A_370 = arith.index_cast %add3A_369 : i32 to index
      %get3A_371 = tpu.vector_load %arg6[%get3A_370] {strides = array<i32>} : memref<13312xf32, #tpu.memory_space<vmem>>, vector<16xf32>,
      %add3A_372 = arith.addf %add3A_365, %get3A_371 : vector<16xf32>
      %add3A_373 = arith.constant 12800 : i32
      %add3A_374 = arith.addi %add3A_373, %add3A_19 : i32
      %add3A_375 = arith.constant 16 : i32
      %add3A_376 = arith.addi %add3A_374, %add3A_375 : i32
      %get3A_377 = arith.index_cast %add3A_376 : i32 to index
      %get3A_378 = tpu.vector_load %arg6[%get3A_377] {strides = array<i32>} : memref<13312xf32, #tpu.memory_space<vmem>>, vector<16xf32>,
      %add3A_379 = arith.addf %add3A_372, %get3A_378 : vector<16xf32>
      %add3A_380 = arith.constant 16 : i32
      %add3A_381 = arith.addi %add3A_19, %add3A_380 : i32
      %swap3A_382 = arith.index_cast %add3A_381 : i32 to index
      %swap3A_383 = tpu.vector_load %arg7[%swap3A_382] {strides = array<i32>} : memref<512xf32, #tpu.memory_space<vmem>>, vector<16xf32>,
      tpu.vector_store %arg7[%swap3A_382], %add3A_379 {strides = array<i32>} : memref<512xf32, #tpu.memory_space<vmem>>, vector<16xf32>,
    }
    %scan3A_14 = arith.constant 16 : i32
    "tpu.region"() ({
      %run_scoped3A = tpu.sem_alloc : memref<!tpu.dma_semaphore, #tpu.memory_space<semaphore_mem>>
      %dma_start3A = tpu.memref_slice %arg4[%mul3A_2] : memref<16384xf32, #tpu.memory_space<hbm>> -> memref<512xf32, #tpu.memory_space<hbm>>
      %dma_start3A_15 = tpu.memref_slice %arg4[%mul3A_2] : memref<16384xf32, #tpu.memory_space<hbm>> -> memref<512xf32, #tpu.memory_space<hbm>>
      tpu.enqueue_dma source(%arg7 : memref<512xf32, #tpu.memory_space<vmem>>) target(%dma_start3A_15 : memref<512xf32, #tpu.memory_space<hbm>>) target_semaphore(%run_scoped3A : memref<!tpu.dma_semaphore, #tpu.memory_space<semaphore_mem>>)
      %dma_wait3A_16 = tpu.memref_slice %arg4[%mul3A_2] : memref<16384xf32, #tpu.memory_space<hbm>> -> memref<512xf32, #tpu.memory_space<hbm>>
      %dma_wait3A_17 = tpu.memref_slice %arg4[%mul3A_2] : memref<16384xf32, #tpu.memory_space<hbm>> -> memref<512xf32, #tpu.memory_space<hbm>>
      tpu.wait_dma2 semaphore(%run_scoped3A : memref<!tpu.dma_semaphore, #tpu.memory_space<semaphore_mem>>) src(%arg7 : memref<512xf32, #tpu.memory_space<vmem>>) dst(%dma_wait3A_17 : memref<512xf32, #tpu.memory_space<hbm>>)
      tpu.yield
    }) : () -> ()
    return
  }
}

</mosaic_0001>

<sc_bundles>
// kernel: _sc_call.3.cloned.1.call-start
scs
__scs_entry_jumppad:
0x0: {  	(pc) =	sbr.rel $0x88, $3  }
0x1: {  	(tag) =	ssettag $0x0;
	lr =	simm.s32 $0x1  }
0x2: {  	[smem:$0x3F9F] =	sst lr;
	_ =	strace $0xD0000000  }
0x3: {  	_ = 	snop  }
0x4: {  	_ = 	snop  }
0x5: {  	_ = 	snop  }
0x6: {  	_ = 	snop  }
0x7: {  	_ = 	snop  }
__scs_overlays_trampoline_lowered:
0x8: {  	[smem:$0x3FAE] =	sst s0  }
0x9: {  	[smem:$0x3FAF] =	sst s1  }
0xa: {  	[smem:$0x3FB0] =	sst s2  }
0xb: {  	[smem:$0x3FB1] =	sst s3  }
0xc: {  	[smem:$0x3FB2] =	sst s4  }
0xd: {  	[smem:$0x3FB3] =	sst s5  }
0xe: {  	[smem:$0x3FB4] =	sst s6  }
0xf: {  	[smem:$0x3FB5] =	sst s7  }
0x10: {  	[smem:$0x3FB6] =	sst s8  }
0x11: {  	[smem:$0x3FB7] =	sst s9;
	s0 =	simm.s32 @!p0 $0x0  }
0x12: {  	s1 =	sld [smem:$0x3F9D];
	s0 =	simm.s32 @p0 $0x1  }
0x13: {  	[smem:$0x3FB8] =	sst s0;
	s0 =	simm.s32 @!p1 $0x0  }
0x14: {  	s2 =	sld [smem:$0x3F9C];
	s0 =	simm.s32 @p1 $0x1  }
0x15: {  	[smem:$0x3FB9] =	sst s0;
	s0 =	simm.s32 @!p2 $0x0  }
0x16: {  	s3 =	sld [smem:$0x3FDB];
	s0 =	simm.s32 @p2 $0x1  }
0x17: {  	s4 =	simm.s32 $0x1BF5;
	[smem:$0x3FBB] =	sst s0  }
0x18: {  	s0 =	sld [smem:$0x3F9E];
	_ =	swait.ge [sflag:s4], $0x0  }
0x19: {  	s7 =	sld [smem:$0x3F9F]  }
0x1a: {  	s8 =	sadd.s32 $0xFFFFE003, lr  }
0x1b: {  	s9 =	sadd.s32 $0xFFFFFEF7, lr;
	s5 =	simm.s32 $0xFFFFFFFF;
	p2 =	slt.u32 s8, $0xFFFFF086  }
0x1c: {  	p1 =	slt.u32 s9, $0xF7A;
	s5 =	simm.s32 @!p2 $0x0  }
0x1d: {  	s5 =	simm.s32 @p1 $0x1;
	p0 =	seq.s32 s7, s2  }
0x1e: {  	s7 =	smul.u32 @!p0 $0xF7A, s2;
	p2 =	seq.s32 @!p0 s5, $0x0  }
0x1f: {  	s9 =	smul.u32 $0xF7A, s1;
	s8 =	simm.s32 @!p0 $0x1BF5;
	p2 =	por !p2, p0  }
0x20: {  	[sflag:s8] =	ssyncset.s32 @!p0 $0xFFFFF086;
	s6 =	sadd.s32 @!p0 s3, s7;
	s7 =	simm.s32 @!p0 $0x108  }
0x21: {  	s3 =	sadd.s32 s3, s9;
	s6 =	sadd.s32 @!p0 $0x88, s6;
	s7 =	simm.s32 @p2 $0x1082  }
0x22: {  	[simem:s7], [sflag:s8] =	dma.local @!p0 [hbm:s6], $0xF7A  }
0x23: {  	s9 =	sor.u32 $0xD0000000, s2;
	s6 =	simm.s32 $0x108;
	_ =	swait.ge @!p0 [sflag:s8], $0x0  }
0x24: {  	s3 =	sadd.s32 $0x88, s3;
	s6 =	simm.s32 @!p1 $0x1082;
	[sflag:s4] =	ssyncset.s32 $0xFFFFF086  }
0x25: {  	[simem:s6], [sflag:s4] =	dma.local [hbm:s3], $0xF7A  }
0x26: {  	[smem:$0x3F9F] =	sst s1;
	(tag) =	ssettag s2;
	_ =	strace s9  }
0x27: {  	s1 =	sld [smem:$0x3FAF]  }
0x28: {  	s2 =	sld [smem:$0x3FB0]  }
0x29: {  	s4 =	sld [smem:$0x3FB2]  }
0x2a: {  	p0 =	seq.s32 s5, $0x0;
	s5 =	sld [smem:$0x3FB3]  }
0x2b: {  	s6 =	sld [smem:$0x3FB4]  }
0x2c: {  	s7 =	sld [smem:$0x3FB5]  }
0x2d: {  	s3 =	simm.s32 $0x108;
	s8 =	sld [smem:$0x3FB6]  }
0x2e: {  	s3 =	simm.s32 @!p0 $0x1082;
	s9 =	sld [smem:$0x3FB7]  }
0x2f: {  	lr =	sadd.s32 s0, s3;
	s0 =	sld [smem:$0x3FAE]  }
0x30: {  	s3 =	sld [smem:$0x3FB1]  }
0x31: {  	[smem:$0x3FBA] =	sst s10  }
0x32: {  	s10 =	sld [smem:$0x3FB8];
	_ =	sdelay $0x3  }
0x33: {  	p0 =	seq.s32 s10, $0x1;
	s10 =	sld [smem:$0x3FBA];
	_ =	sdelay $0x3  }
0x34: {  	[smem:$0x3FBA] =	sst s10  }
0x35: {  	s10 =	sld [smem:$0x3FB9];
	_ =	sdelay $0x3  }
0x36: {  	p1 =	seq.s32 s10, $0x1;
	s10 =	sld [smem:$0x3FBA];
	_ =	sdelay $0x3  }
0x37: {  	[smem:$0x3FBA] =	sst s10  }
0x38: {  	s10 =	sld [smem:$0x3FBB]  }
0x39: {  	_ = 	snop;
	(pc) =	sbr.ind lr, $3  }
0x3a: {  	_ = 	snop  }
0x3b: {  	_ = 	snop  }
0x3c: {  	p2 =	seq.s32 s10, $0x1;
	s10 =	sld [smem:$0x3FBA]  }
0x3d: {  	_ =	shalt  }
0x3e: {  	_ =	shalt  }
0x3f: {  	_ =	shalt  }
0x40: {  	_ =	shalt  }
0x41: {  	_ =	shalt  }
0x42: {  	_ =	shalt  }
0x43: {  	_ =	shalt  }
0x44: {  	_ =	shalt  }
0x45: {  	_ =	shalt  }
0x46: {  	_ =	shalt  }
0x47: {  	_ =	shalt  }
0x48: {  	_ =	shalt  }
0x49: {  	_ =	shalt  }
0x4a: {  	_ =	shalt  }
0x4b: {  	_ =	shalt  }
0x4c: {  	_ =	shalt  }
0x4d: {  	_ =	shalt  }
0x4e: {  	_ =	shalt  }
0x4f: {  	_ =	shalt  }
0x50: {  	_ =	shalt  }
0x51: {  	_ =	shalt  }
0x52: {  	_ =	shalt  }
0x53: {  	_ =	shalt  }
0x54: {  	_ =	shalt  }
0x55: {  	_ =	shalt  }
0x56: {  	_ =	shalt  }
0x57: {  	_ =	shalt  }
0x58: {  	_ =	shalt  }
0x59: {  	_ =	shalt  }
0x5a: {  	_ =	shalt  }
0x5b: {  	_ =	shalt  }
0x5c: {  	_ =	shalt  }
0x5d: {  	_ =	shalt  }
0x5e: {  	_ =	shalt  }
0x5f: {  	_ =	shalt  }
0x60: {  	_ =	shalt  }
0x61: {  	_ =	shalt  }
0x62: {  	_ =	shalt  }
0x63: {  	_ =	shalt  }
0x64: {  	_ =	shalt  }
0x65: {  	_ =	shalt  }
0x66: {  	_ =	shalt  }
0x67: {  	_ =	shalt  }
0x68: {  	_ =	shalt  }
0x69: {  	_ =	shalt  }
0x6a: {  	_ =	shalt  }
0x6b: {  	_ =	shalt  }
0x6c: {  	_ =	shalt  }
0x6d: {  	_ =	shalt  }
0x6e: {  	_ =	shalt  }
0x6f: {  	_ =	shalt  }
0x70: {  	_ =	shalt  }
0x71: {  	_ =	shalt  }
0x72: {  	_ =	shalt  }
0x73: {  	_ =	shalt  }
0x74: {  	_ =	shalt  }
0x75: {  	_ =	shalt  }
0x76: {  	_ =	shalt  }
0x77: {  	_ =	shalt  }
0x78: {  	_ =	shalt  }
0x79: {  	_ =	shalt  }
0x7a: {  	_ =	shalt  }
0x7b: {  	_ =	shalt  }
0x7c: {  	_ =	shalt  }
0x7d: {  	_ =	shalt  }
0x7e: {  	_ =	shalt  }
0x7f: {  	_ =	shalt  }
0x80: {  	_ =	shalt  }
0x81: {  	_ =	shalt  }
0x82: {  	_ =	shalt  }
0x83: {  	_ =	shalt  }
0x84: {  	_ =	shalt  }
0x85: {  	_ =	shalt  }
0x86: {  	_ =	shalt  }
0x87: {  	_ =	shalt  }
.Lfunc_end0:
.L_simem_size_0:
called_computation_lowered:
.L_overlay_start_0:
0x88: {  	s2 =	sld [smem:$0x3FD9]  }
0x89: {  	s3 =	sld [smem:$0x3FFE];
	_ =	sdelay $0x1  }
0x8a: {  	s1 =	srdreg.scid  }
0x8b: {  	s0 =	sand.u32 $0x1, s1  }
0x8c: {  	s18 =	sshll.u32 s0, $0xA;
	s2 =	sadd.s32 s3, s2  }
0x8d: {  	s2 =	sadd.s32 s2, s18  }
0x8e: {  	[smem:$0x3FC6] =	sst s2  }
0x8f: {  	_ = 	snop  }
0x90: {  	s2 =	sld [smem:$0x3FC9]  }
0x91: {  	s19 =	sld [smem:$0x3FC8]  }
0x92: {  	s4 =	sld [smem:$0x3FD0];
	(tm) =	ssettm $0x1  }
0x93: {  	s5 =	sld [smem:$0x3FFB];
	_ =	sdelay $0x3  }
0x94: {  	_ =	strace s5  }
0x95: {  	s5 =	sld [smem:$0x3FFC];
	_ =	sdelay $0x3  }
0x96: {  	_ =	strace s5  }
0x97: {  	s5 =	sld [smem:$0x3FFD];
	_ =	sdelay $0x3  }
0x98: {  	_ =	strace s5  }
0x99: {  	_ =	strace $0x8FFFFFFF  }
0x9a: {  	s20 =	sld [smem:$0x3FDB];
	_ =	sdelay $0x1  }
0x9b: {  	s6 =	simm.s32 $_scs_section_size  }
0x9c: {  	s7 =	simm.s32 $_size__tile_overlayer_lowered;
	s8 =	simm.s32 $_tile_overlayer_lowered  }
0x9d: {  	s23 =	simm.s32 $0x1BFF;
	s22 =	sshll.u32 s8, $0x1;
	s5 =	sadd.s32 s6, s20  }
0x9e: {  	s9 =	simm.s32 $0x0;
	s21 =	sshll.u32 s7, $0x1;
	s7 =	sadd.s32 s22, s5  }
0x9f: {  	[timem:s9], [sflag:s23] =	dma.local [hbm:s7], s21  }
0xa0: {  	_ =	swait.ge [sflag:s23], s21  }
0xa1: {  	s6 =	ssub.s32 $0x0, s21;
	[sflag:s23] =	ssyncset.done $0x0  }
0xa2: {  	[sflag:s23] =	ssyncadd.s32 s6;
	_ =	sdelay $0x1  }
0xa3: {  	s24 =	simm.s32 $0x1B8B  }
0xa4: {  	_ =	swait.ge [sflag:s24], $0x1  }
0xa5: {  	[sflag:s24] =	ssyncset.done $0x0  }
0xa6: {  	s25 =	simm.s32 $0x1B8E;
	[sflag:s24] =	ssyncadd.s32 $0xFFFFFFFF  }
0xa7: {  	s26 =	simm.s32 $execute0_lowered;
	[smem:$0x3FD2] =	sst s25  }
0xa8: {  	s6 =	sshll.u32 s26, $0x1;
	_ =	strace $0x80000046;
	[dreg:$0x1] =	wrdreg $0xFFFFFFFF  }
0xa9: {  	s28 =	simm.s32 $_size_execute0_lowered;
	s5 =	sadd.s32 s5, s6;
	[dreg:$0x0] =	wrdreg $0x0  }
0xaa: {  	s6 =	sshll.u32 s28, $0x1;
	[dreg:$0x2] =	wrdreg s5  }
0xab: {  	[dreg:$0x3] =	wrdreg s6  }
0xac: {  	[dreg:$0x4] =	wrdreg $0xC0  }
0xad: {  	_ =	task [dreg:s9], $0x5FFFF  }
0xae: {  	[dreg:$0x1] =	wrdreg $0xFFFFFFFF  }
0xaf: {  	[dreg:$0x0] =	wrdreg $0x60  }
0xb0: {  	[dreg:$0x2] =	wrdreg s2  }
0xb1: {  	[dreg:$0x3] =	wrdreg s19  }
0xb2: {  	[dreg:$0x4] =	wrdreg s4  }
0xb3: {  	[dreg:$0x5] =	wrdreg $0x9  }
0xb4: {  	_ =	task.clear_ibuf [dreg:s9], $0x6FFFF;
	_ =	strace $0x90000046  }
0xb5: {  	s29 =	simm.s32 $0x9;
	_ =	strace $0x80000048  }
0xb6: {  	_ =	swait.ge [sflag:s29], $0x1  }
0xb7: {  	[sflag:s29] =	ssyncadd.s32 $0xFFFFFFFF  }
0xb8: {  	_ =	strace $0x90000048  }
0xb9: {  	_ =	sfence  }
0xba: {  	s30 =	sld [smem:$0x0];
	_ =	sdelay $0x2  }
0xbb: {  	s31 =	sshll.u32 s1, $0xD;
	s1 =	sshrl.u32 s1, $0x2  }
0xbc: {  	s3 =	sand.u32 $0x4000, s31;
	s1 =	sadd.s32 s1, s30  }
0xbd: {  	s0 =	sor.u32 s3, s0;
	s1 =	sshll.u32 s1, $0x11  }
0xbe: {  	s0 =	sor.u32 s1, s0  }
0xbf: {  	s0 =	sadd.s32 $0x8F2B, s0  }
0xc0: {  	[sflag:s0] =	ssyncadd.remote.s32 $0x1  }
0xc1: {  	_ =	sfence.sel $0xFFFF  }
0xc2: {  	[dreg:$0x0] =	wrdreg $0xFFFFFFFF;
	(pc) =	sbr.abs _section_cstart, $3  }
0xc3: {  	[dreg:$0x1] =	wrdreg $0xFFFFFFFF  }
0xc4: {  	_ =	task.clear_ibuf [dreg:s9], $0x2FFFF;
	_ =	strace $0x9FFFFFFF  }
0xc5: {  	(tm) =	ssettm $0x7FFFFFFF  }
tec
execute0_lowered:
.L_overlay_start_1:
0x0: {  	(tag) =	ssettag $0x1  }
0x1: {  	s1 =	rddreg [dreg:$0x0]  }
0x2: {  	s4 =	rddreg [dreg:$0x1]  }
0x3: {  	s5 =	rddreg [dreg:$0x2]  }
0x4: {  	s0 =	rddreg [dreg:$0x3];
	s6 =	srdreg.scid  }
0x5: {  	s3 =	simm.s32 $0x0;
	s2 =	stileid.u32;
	s10 =	simm.s32 $0x80  }
0x6: {  	s11 =	simm.s32 $0x1;
	s12 =	simm.s32 $0x6800;
	s13 =	simm.s32 $0x0  }
0x7: {  	s6 =	sand.u32 $0x1, s6;
	s8 =	sshll.u32 s2, $0x7;
	[smem:$0x7FF] =	sst s3  }
0x8: {  	s7 =	ssub.s32 $0x2, s6;
	s6 =	sshll.u32 s6, $0x6;
	_ =	strace $0x80000047  }
0x9: {  	s9 =	sshrl.u32 s7, $0x1;
	s6 =	sor.u32 s6, s8;
	s8 =	simm.s32 $0x4000  }
0xa: {  	s7 =	ssub.s32 s7, s9;
	s4 =	sadd.s32 s4, s6;
	s5 =	sadd.s32 s5, s6  }
0xb: {  	s9 =	simm.s32 $0x2;
	s6 =	smax.u32 s7, $0x1;
	s7 =	simm.s32 $0x200  }
.LBB2_1:
0xc: {  	[tilespmem:s3], [sflag:$0x2] =	stream.strided.gather [hbm4b:s4+s7], $0x3400, s8, s7, $0x38;
	[tilespmem:$0x6A00] =	vst v63  }
0xd: {  	_ =	swait.ge [sflag:s9], $0x3400  }
0xe: {  	s14 =	simm.s32 $0x0;
	s15 =	simm.s32 $0x3400;
	[sflag:s9] =	ssyncset.done $0x0  }
0xf: {  	s28 =	simm.s32 $0x3480;
	s29 =	simm.s32 $0x80;
	[sflag:s9] =	ssyncadd.s32 $0xFFFFCC00  }
0x10: {  	[tilespmem:s15], [sflag:$0x1] =	stream.indirect.gather [hbm4b:s1+s10], $0x1, s14, s10, $0xb8;
	[tilespmem:$0x6A00] =	vst v63  }
0x11: {  	s30 =	simm.s32 $0x3500;
	s31 =	simm.s32 $0x100;
	s16 =	simm.s32 $0x3580  }
0x12: {  	[tilespmem:s28], [sflag:$0x1] =	stream.indirect.gather [hbm4b:s1+s10], $0x1, s29, s10, $0xb8;
	[tilespmem:$0x6A00] =	vst v63  }
0x13: {  	s17 =	simm.s32 $0x180;
	s14 =	simm.s32 $0x200;
	s15 =	simm.s32 $0x1000  }
0x14: {  	[tilespmem:s30], [sflag:$0x1] =	stream.indirect.gather [hbm4b:s1+s10], $0x1, s31, s10, $0xb8;
	[tilespmem:$0x6A00] =	vst v63  }
.LBB2_2:
0x15: {  	[tilespmem:s16], [sflag:$0x1] =	stream.indirect.gather [hbm4b:s1+s10], $0x1, s17, s10, $0xb8;
	[tilespmem:$0x6A00] =	vst v63  }
0x16: {  	s16 =	smov.u32 s15;
	s19 =	sadd.s32 $0x800, s15  }
0x17: {  	p0 =	sne.s32 s15, $0xC800;
	s18 =	sshra.s32 s16, $0x2;
	s16 =	sadd.s32 $0x3400, s14  }
0x18: {  	[tilespmem:s16], [sflag:$0x1] =	stream.indirect.gather [hbm4b:s1+s10], $0x1, s14, s10, $0xb8;
	[tilespmem:$0x6A00] =	vst v63  }
.Ltmp0:
0x19: {  	s17 =	sadd.s32 $0x80, s14;
	s16 =	sadd.s32 $0x3480, s14;
	(pc) =	sbr.rel @p0 .LBB2_2-.Ltmp0, $4  }
0x1a: {  	[tilespmem:s16], [sflag:$0x1] =	stream.indirect.gather [hbm4b:s1+s10], $0x1, s17, s10, $0xb8;
	[tilespmem:$0x6A00] =	vst v63  }
0x1b: {  	s15 =	sadd.s32 $0x3500, s14;
	s16 =	sadd.s32 $0x100, s14;
	s17 =	sadd.s32 $0x180, s14  }
0x1c: {  	[tilespmem:s15], [sflag:$0x1] =	stream.indirect.gather [hbm4b:s1+s10], $0x1, s16, s10, $0xb8;
	[tilespmem:$0x6A00] =	vst v63  }
0x1d: {  	s16 =	sadd.s32 $0x3580, s14;
	s14 =	smov.u32 s18;
	s15 =	smov.u32 s19  }
0x1e: {  	[tilespmem:s16], [sflag:$0x1] =	stream.indirect.gather [hbm4b:s1+s10], $0x1, s17, s10, $0xb8;
	[tilespmem:$0x6A00] =	vst v63  }
0x1f: {  	s15 =	sadd.s32 $0x3400, s14  }
0x20: {  	[tilespmem:s15], [sflag:$0x1] =	stream.indirect.gather [hbm4b:s1+s10], $0x1, s14, s10, $0xb8;
	[tilespmem:$0x6A00] =	vst v63  }
0x21: {  	s25 =	sadd.s32 $0x3480, s14;
	s26 =	sadd.s32 $0x80, s14  }
0x22: {  	[tilespmem:s25], [sflag:$0x1] =	stream.indirect.gather [hbm4b:s1+s10], $0x1, s26, s10, $0xb8;
	[tilespmem:$0x6A00] =	vst v63  }
0x23: {  	s28 =	sadd.s32 $0x3500, s14;
	s29 =	sadd.s32 $0x100, s14  }
0x24: {  	[tilespmem:s28], [sflag:$0x1] =	stream.indirect.gather [hbm4b:s1+s10], $0x1, s29, s10, $0xb8;
	[tilespmem:$0x6A00] =	vst v63  }
0x25: {  	s30 =	sadd.s32 $0x3580, s14;
	s31 =	sadd.s32 $0x180, s14  }
0x26: {  	[tilespmem:s30], [sflag:$0x1] =	stream.indirect.gather [hbm4b:s1+s10], $0x1, s31, s10, $0xb8;
	[tilespmem:$0x6A00] =	vst v63  }
0x27: {  	_ =	swait.ge [sflag:s11], $0x3400  }
0x28: {  	[sflag:s11] =	ssyncset.done $0x0  }
0x29: {  	s14 =	simm.s32 $0x0;
	[sflag:s11] =	ssyncadd.s32 $0xFFFFCC00  }
0x2a: {  	v0 =	vld [tilespmem:s14+$0x3410]  }
0x2b: {  	v1 =	vld [tilespmem:s14+$0x3610]  }
0x2c: {  	v2 =	vld [tilespmem:s14+$0x3400]  }
0x2d: {  	v3 =	vld [tilespmem:s14+$0x3810]  }
0x2e: {  	v4 =	vld [tilespmem:s14+$0x3600]  }
0x2f: {  	v5 =	vld [tilespmem:s14+$0x3A10]  }
0x30: {  	v6 =	vld [tilespmem:s14+$0x3800];
	v0 =	vadd.f32 v1, v0  }
0x31: {  	v1 =	vld [tilespmem:s14+$0x3C10]  }
0x32: {  	v7 =	vld [tilespmem:s14+$0x3A00];
	v0 =	vadd.f32 v3, v0  }
0x33: {  	v2 =	vadd.f32 v4, v2;
	v3 =	vld [tilespmem:s14+$0x3E10]  }
0x34: {  	v4 =	vld [tilespmem:s14+$0x3C00];
	v0 =	vadd.f32 v5, v0  }
0x35: {  	v2 =	vadd.f32 v6, v2;
	v5 =	vld [tilespmem:s14+$0x4010]  }
0x36: {  	v6 =	vld [tilespmem:s14+$0x3E00];
	v0 =	vadd.f32 v1, v0  }
0x37: {  	v2 =	vadd.f32 v7, v2;
	v1 =	vld [tilespmem:s14+$0x4210]  }
0x38: {  	v7 =	vld [tilespmem:s14+$0x4000];
	v0 =	vadd.f32 v3, v0  }
0x39: {  	v2 =	vadd.f32 v4, v2;
	v3 =	vld [tilespmem:s14+$0x4410]  }
0x3a: {  	v4 =	vld [tilespmem:s14+$0x4200];
	v0 =	vadd.f32 v5, v0  }
0x3b: {  	v2 =	vadd.f32 v6, v2;
	v5 =	vld [tilespmem:s14+$0x4610]  }
0x3c: {  	v6 =	vld [tilespmem:s14+$0x4400];
	v0 =	vadd.f32 v1, v0  }
0x3d: {  	v2 =	vadd.f32 v7, v2;
	v1 =	vld [tilespmem:s14+$0x4810]  }
0x3e: {  	v7 =	vld [tilespmem:s14+$0x4600];
	v0 =	vadd.f32 v3, v0  }
0x3f: {  	v2 =	vadd.f32 v4, v2;
	v3 =	vld [tilespmem:s14+$0x4A10]  }
0x40: {  	v4 =	vld [tilespmem:s14+$0x4800];
	v0 =	vadd.f32 v5, v0  }
0x41: {  	v2 =	vadd.f32 v6, v2;
	v5 =	vld [tilespmem:s14+$0x4C10]  }
0x42: {  	v6 =	vld [tilespmem:s14+$0x4A00];
	v0 =	vadd.f32 v1, v0  }
0x43: {  	v2 =	vadd.f32 v7, v2;
	v1 =	vld [tilespmem:s14+$0x4E10]  }
0x44: {  	v7 =	vld [tilespmem:s14+$0x4C00];
	v0 =	vadd.f32 v3, v0  }
0x45: {  	v2 =	vadd.f32 v4, v2;
	v3 =	vld [tilespmem:s14+$0x5010]  }
0x46: {  	v4 =	vld [tilespmem:s14+$0x4E00];
	v0 =	vadd.f32 v5, v0  }
0x47: {  	v2 =	vadd.f32 v6, v2;
	v5 =	vld [tilespmem:s14+$0x5210]  }
0x48: {  	v6 =	vld [tilespmem:s14+$0x5000];
	v0 =	vadd.f32 v1, v0  }
0x49: {  	v2 =	vadd.f32 v7, v2;
	v1 =	vld [tilespmem:s14+$0x5410]  }
0x4a: {  	v7 =	vld [tilespmem:s14+$0x5200];
	v0 =	vadd.f32 v3, v0  }
0x4b: {  	v2 =	vadd.f32 v4, v2;
	v3 =	vld [tilespmem:s14+$0x5610]  }
0x4c: {  	v4 =	vld [tilespmem:s14+$0x5400];
	v0 =	vadd.f32 v5, v0  }
0x4d: {  	v2 =	vadd.f32 v6, v2;
	v5 =	vld [tilespmem:s14+$0x5810]  }
0x4e: {  	v6 =	vld [tilespmem:s14+$0x5600];
	v0 =	vadd.f32 v1, v0  }
0x4f: {  	v2 =	vadd.f32 v7, v2;
	v1 =	vld [tilespmem:s14+$0x5A10]  }
0x50: {  	v7 =	vld [tilespmem:s14+$0x5800];
	v0 =	vadd.f32 v3, v0  }
0x51: {  	v2 =	vadd.f32 v4, v2;
	v3 =	vld [tilespmem:s14+$0x5C10]  }
0x52: {  	v4 =	vld [tilespmem:s14+$0x5A00];
	v0 =	vadd.f32 v5, v0  }
0x53: {  	v2 =	vadd.f32 v6, v2;
	v5 =	vld [tilespmem:s14+$0x5E10]  }
0x54: {  	v6 =	vld [tilespmem:s14+$0x5C00];
	v0 =	vadd.f32 v1, v0  }
0x55: {  	v2 =	vadd.f32 v7, v2;
	v1 =	vld [tilespmem:s14+$0x6010]  }
0x56: {  	v7 =	vld [tilespmem:s14+$0x5E00];
	v0 =	vadd.f32 v3, v0  }
0x57: {  	v8 =	vld [tilespmem:s14+$0x6210];
	v2 =	vadd.f32 v4, v2  }
0x58: {  	v9 =	vld [tilespmem:s14+$0x6000];
	v0 =	vadd.f32 v5, v0  }
0x59: {  	v10 =	vld [tilespmem:s14+$0x6410];
	v3 =	vadd.f32 v6, v2  }
0x5a: {  	v2 =	vld [tilespmem:s14+$0x6200];
	v0 =	vadd.f32 v1, v0  }
0x5b: {  	v4 =	vld [tilespmem:s14+$0x6610];
	v5 =	vadd.f32 v7, v3  }
0x5c: {  	v3 =	vld [tilespmem:s14+$0x6400];
	v6 =	vadd.f32 v8, v0  }
0x5d: {  	s16 =	simm.s32 $0x20;
	v1 =	vld [tilespmem:s14+$0x6600];
	v5 =	vadd.f32 v9, v5  }
0x5e: {  	s15 =	simm.s32 $0x100;
	v0 =	vld [tilespmem:s16+$0x3410];
	v6 =	vadd.f32 v10, v6  }
.LBB2_4:
0x5f: {  	p0 =	sne.s32 s15, $0x780;
	v7 =	vld [tilespmem:s16+$0x3610];
	v2 =	vadd.f32 v2, v5  }
0x60: {  	v5 =	vld [tilespmem:s16+$0x3400];
	v4 =	vadd.f32 v4, v6  }
0x61: {  	v6 =	vld [tilespmem:s16+$0x3810];
	v2 =	vadd.f32 v3, v2  }
0x62: {  	v3 =	vld [tilespmem:s16+$0x3600];
	[tilespmem:s14+$0x6810] =	vst v4  }
0x63: {  	v4 =	vld [tilespmem:s16+$0x3A10];
	v1 =	vadd.f32 v1, v2  }
0x64: {  	v2 =	vld [tilespmem:s16+$0x3800];
	v0 =	vadd.f32 v7, v0  }
0x65: {  	v7 =	vld [tilespmem:s16+$0x3C10];
	[tilespmem:s14+$0x6800] =	vst v1;
	s14 =	smov.u32 s16  }
0x66: {  	v1 =	vld [tilespmem:s14+$0x3A00];
	v0 =	vadd.f32 v6, v0  }
0x67: {  	v3 =	vadd.f32 v3, v5;
	v5 =	vld [tilespmem:s14+$0x3E10]  }
0x68: {  	v6 =	vld [tilespmem:s14+$0x3C00];
	v0 =	vadd.f32 v4, v0  }
0x69: {  	v2 =	vadd.f32 v2, v3;
	v3 =	vld [tilespmem:s14+$0x4010]  }
0x6a: {  	v4 =	vld [tilespmem:s14+$0x3E00];
	v0 =	vadd.f32 v7, v0  }
0x6b: {  	v1 =	vadd.f32 v1, v2;
	v2 =	vld [tilespmem:s14+$0x4210]  }
0x6c: {  	v7 =	vld [tilespmem:s14+$0x4000];
	v0 =	vadd.f32 v5, v0  }
0x6d: {  	v1 =	vadd.f32 v6, v1;
	v5 =	vld [tilespmem:s14+$0x4410]  }
0x6e: {  	v6 =	vld [tilespmem:s14+$0x4200];
	v0 =	vadd.f32 v3, v0  }
0x6f: {  	v1 =	vadd.f32 v4, v1;
	v3 =	vld [tilespmem:s14+$0x4610]  }
0x70: {  	v4 =	vld [tilespmem:s14+$0x4400];
	v0 =	vadd.f32 v2, v0  }
0x71: {  	v1 =	vadd.f32 v7, v1;
	v2 =	vld [tilespmem:s14+$0x4810]  }
0x72: {  	v7 =	vld [tilespmem:s14+$0x4600];
	v0 =	vadd.f32 v5, v0  }
0x73: {  	v1 =	vadd.f32 v6, v1;
	v5 =	vld [tilespmem:s14+$0x4A10]  }
0x74: {  	v6 =	vld [tilespmem:s14+$0x4800];
	v0 =	vadd.f32 v3, v0  }
0x75: {  	v1 =	vadd.f32 v4, v1;
	v3 =	vld [tilespmem:s14+$0x4C10]  }
0x76: {  	v4 =	vld [tilespmem:s14+$0x4A00];
	v0 =	vadd.f32 v2, v0  }
0x77: {  	v1 =	vadd.f32 v7, v1;
	v2 =	vld [tilespmem:s14+$0x4E10]  }
0x78: {  	v7 =	vld [tilespmem:s14+$0x4C00];
	v0 =	vadd.f32 v5, v0  }
0x79: {  	v1 =	vadd.f32 v6, v1;
	v5 =	vld [tilespmem:s14+$0x5010]  }
0x7a: {  	v6 =	vld [tilespmem:s14+$0x4E00];
	v0 =	vadd.f32 v3, v0  }
0x7b: {  	v1 =	vadd.f32 v4, v1;
	v3 =	vld [tilespmem:s14+$0x5210]  }
0x7c: {  	v4 =	vld [tilespmem:s14+$0x5000];
	v0 =	vadd.f32 v2, v0  }
0x7d: {  	v1 =	vadd.f32 v7, v1;
	v2 =	vld [tilespmem:s14+$0x5410]  }
0x7e: {  	v7 =	vld [tilespmem:s14+$0x5200];
	v0 =	vadd.f32 v5, v0  }
0x7f: {  	v1 =	vadd.f32 v6, v1;
	v5 =	vld [tilespmem:s14+$0x5610]  }
0x80: {  	v6 =	vld [tilespmem:s14+$0x5400];
	v0 =	vadd.f32 v3, v0  }
0x81: {  	v1 =	vadd.f32 v4, v1;
	v3 =	vld [tilespmem:s14+$0x5810]  }
0x82: {  	v4 =	vld [tilespmem:s14+$0x5600];
	v0 =	vadd.f32 v2, v0  }
0x83: {  	v1 =	vadd.f32 v7, v1;
	v2 =	vld [tilespmem:s14+$0x5A10]  }
0x84: {  	v7 =	vld [tilespmem:s14+$0x5800];
	v0 =	vadd.f32 v5, v0  }
0x85: {  	v1 =	vadd.f32 v6, v1;
	v5 =	vld [tilespmem:s14+$0x5C10]  }
0x86: {  	v6 =	vld [tilespmem:s14+$0x5A00];
	v0 =	vadd.f32 v3, v0  }
0x87: {  	v1 =	vadd.f32 v4, v1;
	v3 =	vld [tilespmem:s14+$0x5E10]  }
0x88: {  	v4 =	vld [tilespmem:s14+$0x5C00];
	v0 =	vadd.f32 v2, v0  }
0x89: {  	v1 =	vadd.f32 v7, v1;
	v7 =	vld [tilespmem:s14+$0x6010]  }
0x8a: {  	v8 =	vld [tilespmem:s14+$0x5E00];
	v0 =	vadd.f32 v5, v0  }
0x8b: {  	v1 =	vadd.f32 v6, v1;
	v5 =	vld [tilespmem:s14+$0x6210]  }
0x8c: {  	v6 =	vld [tilespmem:s14+$0x6000];
	v0 =	vadd.f32 v3, v0  }
0x8d: {  	v1 =	vadd.f32 v4, v1;
	v9 =	vld [tilespmem:s14+$0x6410]  }
.Ltmp1:
0x8e: {  	v2 =	vld [tilespmem:s14+$0x6200];
	v0 =	vadd.f32 v7, v0;
	(pc) =	sbr.rel @p0 .LBB2_4-.Ltmp1, $4  }
0x8f: {  	v1 =	vadd.f32 v8, v1;
	v4 =	vld [tilespmem:s14+$0x6610]  }
0x90: {  	v3 =	vld [tilespmem:s14+$0x6400];
	v7 =	vadd.f32 v5, v0  }
0x91: {  	s16 =	sshra.s32 s15, $0x2;
	v5 =	vadd.f32 v6, v1;
	v1 =	vld [tilespmem:s14+$0x6600]  }
0x92: {  	s15 =	sadd.s32 $0x80, s15;
	v0 =	vld [tilespmem:s16+$0x3410];
	v6 =	vadd.f32 v9, v7  }
0x93: {  	v7 =	vld [tilespmem:s16+$0x3610];
	v2 =	vadd.f32 v2, v5  }
0x94: {  	v8 =	vld [tilespmem:s16+$0x3400];
	v4 =	vadd.f32 v4, v6  }
0x95: {  	v17 =	vld [tilespmem:s16+$0x3810];
	v2 =	vadd.f32 v3, v2  }
0x96: {  	v18 =	vld [tilespmem:s16+$0x3600];
	[tilespmem:s14+$0x6810] =	vst v4  }
0x97: {  	v19 =	vld [tilespmem:s16+$0x3A10];
	v1 =	vadd.f32 v1, v2  }
0x98: {  	v20 =	vld [tilespmem:s16+$0x3800]  }
0x99: {  	v4 =	vld [tilespmem:s16+$0x3C10];
	[tilespmem:s14+$0x6800] =	vst v1  }
0x9a: {  	v0 =	vadd.f32 v7, v0;
	v1 =	vld [tilespmem:s16+$0x3A00]  }
0x9b: {  	v6 =	vadd.f32 v18, v8  }
0x9c: {  	v0 =	vadd.f32 v17, v0;
	v21 =	vld [tilespmem:s16+$0x3C00]  }
0x9d: {  	v22 =	vld [tilespmem:s16+$0x3E10];
	v2 =	vadd.f32 v20, v6  }
0x9e: {  	v23 =	vld [tilespmem:s16+$0x3E00];
	v0 =	vadd.f32 v19, v0  }
0x9f: {  	v24 =	vld [tilespmem:s16+$0x4010];
	v1 =	vadd.f32 v1, v2  }
0xa0: {  	v25 =	vld [tilespmem:s16+$0x4000];
	v0 =	vadd.f32 v4, v0  }
0xa1: {  	v26 =	vld [tilespmem:s16+$0x4210];
	v1 =	vadd.f32 v21, v1  }
0xa2: {  	v27 =	vld [tilespmem:s16+$0x4200];
	v0 =	vadd.f32 v22, v0  }
0xa3: {  	v28 =	vld [tilespmem:s16+$0x4410];
	v1 =	vadd.f32 v23, v1  }
0xa4: {  	v29 =	vld [tilespmem:s16+$0x4400];
	v0 =	vadd.f32 v24, v0  }
0xa5: {  	v30 =	vld [tilespmem:s16+$0x4610];
	v1 =	vadd.f32 v25, v1  }
0xa6: {  	v31 =	vld [tilespmem:s16+$0x4600];
	v0 =	vadd.f32 v26, v0  }
0xa7: {  	v32 =	vld [tilespmem:s16+$0x4810];
	v1 =	vadd.f32 v27, v1  }
0xa8: {  	v33 =	vld [tilespmem:s16+$0x4800];
	v0 =	vadd.f32 v28, v0  }
0xa9: {  	v34 =	vld [tilespmem:s16+$0x4A10];
	v1 =	vadd.f32 v29, v1  }
0xaa: {  	v35 =	vld [tilespmem:s16+$0x4A00];
	v0 =	vadd.f32 v30, v0  }
0xab: {  	v36 =	vld [tilespmem:s16+$0x4C10];
	v1 =	vadd.f32 v31, v1  }
0xac: {  	v37 =	vld [tilespmem:s16+$0x4C00];
	v0 =	vadd.f32 v32, v0  }
0xad: {  	v38 =	vld [tilespmem:s16+$0x4E10];
	v1 =	vadd.f32 v33, v1  }
0xae: {  	v39 =	vld [tilespmem:s16+$0x4E00];
	v0 =	vadd.f32 v34, v0  }
0xaf: {  	v40 =	vld [tilespmem:s16+$0x5010];
	v1 =	vadd.f32 v35, v1  }
0xb0: {  	v41 =	vld [tilespmem:s16+$0x5000];
	v0 =	vadd.f32 v36, v0  }
0xb1: {  	v42 =	vld [tilespmem:s16+$0x5210];
	v1 =	vadd.f32 v37, v1  }
0xb2: {  	v43 =	vld [tilespmem:s16+$0x5200];
	v0 =	vadd.f32 v38, v0  }
0xb3: {  	v44 =	vld [tilespmem:s16+$0x5410];
	v1 =	vadd.f32 v39, v1  }
0xb4: {  	v45 =	vld [tilespmem:s16+$0x5400];
	v0 =	vadd.f32 v40, v0  }
0xb5: {  	v46 =	vld [tilespmem:s16+$0x5610];
	v1 =	vadd.f32 v41, v1  }
0xb6: {  	v47 =	vld [tilespmem:s16+$0x5600];
	v0 =	vadd.f32 v42, v0  }
0xb7: {  	v48 =	vld [tilespmem:s16+$0x5810];
	v1 =	vadd.f32 v43, v1  }
0xb8: {  	v49 =	vld [tilespmem:s16+$0x5800];
	v0 =	vadd.f32 v44, v0  }
0xb9: {  	v50 =	vld [tilespmem:s16+$0x5A10];
	v1 =	vadd.f32 v45, v1  }
0xba: {  	v51 =	vld [tilespmem:s16+$0x5A00];
	v0 =	vadd.f32 v46, v0  }
0xbb: {  	v52 =	vld [tilespmem:s16+$0x5C10];
	v1 =	vadd.f32 v47, v1  }
0xbc: {  	v53 =	vld [tilespmem:s16+$0x5C00];
	v0 =	vadd.f32 v48, v0  }
0xbd: {  	v54 =	vld [tilespmem:s16+$0x5E10];
	v1 =	vadd.f32 v49, v1  }
0xbe: {  	v55 =	vld [tilespmem:s16+$0x5E00];
	v0 =	vadd.f32 v50, v0  }
0xbf: {  	v56 =	vld [tilespmem:s16+$0x6010];
	v1 =	vadd.f32 v51, v1  }
0xc0: {  	v57 =	vld [tilespmem:s16+$0x6000];
	v0 =	vadd.f32 v52, v0  }
0xc1: {  	v58 =	vld [tilespmem:s16+$0x6210];
	v1 =	vadd.f32 v53, v1  }
0xc2: {  	v59 =	vld [tilespmem:s16+$0x6200];
	v0 =	vadd.f32 v54, v0  }
0xc3: {  	v60 =	vld [tilespmem:s16+$0x6410];
	v1 =	vadd.f32 v55, v1  }
0xc4: {  	v61 =	vld [tilespmem:s16+$0x6400];
	v0 =	vadd.f32 v56, v0  }
0xc5: {  	v62 =	vld [tilespmem:s16+$0x6610];
	v1 =	vadd.f32 v57, v1  }
0xc6: {  	v63 =	vld [tilespmem:s16+$0x6600];
	v0 =	vadd.f32 v58, v0  }
0xc7: {  	v1 =	vadd.f32 v59, v1  }
0xc8: {  	v0 =	vadd.f32 v60, v0  }
0xc9: {  	v1 =	vadd.f32 v61, v1  }
0xca: {  	v0 =	vadd.f32 v62, v0  }
0xcb: {  	s13 =	sadd.s32 $0x1, s13;
	v1 =	vadd.f32 v63, v1  }
0xcc: {  	p0 =	sne.s32 s13, s6;
	[tilespmem:s16+$0x6810] =	vst v0  }
.Ltmp2:
0xcd: {  	[tilespmem:s16+$0x6800] =	vst v1;
	(pc) =	sbr.rel @p0 .LBB2_1-.Ltmp2, $4  }
0xce: {  	[hbm4b:s5+s3] =	stream.linear.scatter [tilespmem:s12], [sflag:$0x2], $0x200, $0x38;
	[tilespmem:$0x6A00] =	vst v63  }
0xcf: {  	_ =	swait.ge [sflag:s9], $0x200  }
0xd0: {  	[sflag:s9] =	ssyncset.done $0x0  }
0xd1: {  	[sflag:s9] =	ssyncadd.s32 $0xFFFFFE00  }
0xd2: {  	_ =	sfence.sel $0x180000  }
0xd3: {  	[bflag:$0x0] =	sbarrier.arrive $0xFFFF  }
0xd4: {  	p0 =	sne.s32 s2, $0x0;
	_ =	strace $0x90000047  }
0xd5: {  	s0 =	sadd.s32 @!p0 $0x100000, s0;
	[bflag:$0x2] =	sbarrier.arrive $0xFFFF  }
0xd6: {  	[sflag:s0] =	ssyncadd.tile.s32 @!p0 $0x1;
	_ =	shalt  }
.Lfunc_end2:
_tile_overlayer_lowered:
.L_overlay_start_2:
0xd7: {  	(tag) =	ssettag $0x2  }
0xd8: {  	s0 =	rddreg [dreg:$0x0];
	s2 =	stileid.u32  }
0xd9: {  	s1 =	rddreg [dreg:$0x1];
	p0 =	sne.s32 s2, $0x0  }
0xda: {  	s3 =	rddreg [dreg:$0x2];
	[bflag:$0x3] =	sbarrier.arrive $0xFFFF;
	s2 =	simm.s32 @!p0 $0x1C02  }
0xdb: {  	[timem:s3], [sflag:s2] =	dma.local @!p0 [hbm:s0], s1  }
0xdc: {  	s0 =	simm.s32 @!p0 $0x2  }
0xdd: {  	_ =	swait.ge @!p0 [sflag:s0], s1  }
0xde: {  	s1 =	ssub.s32 @!p0 $0x0, s1;
	[sflag:s0] =	ssyncset.done @!p0 $0x0  }
0xdf: {  	[sflag:s0] =	ssyncadd.s32 @!p0 s1  }
0xe0: {  	[bflag:$0x3] =	sbarrier.arrive $0xFFFF  }
0xe1: {  	_ =	shalt  }

</sc_bundles>
